<compile_context>
chip_gen: v7x
topology: tpu7x:2x2x1
jax: 0.10.2.dev20260603
libtpu: 0.0.44.dev20260713+nightly
codegen_flags: <defaults>
</compile_context>

<pallas_src>
import functools

import jax
import jax.numpy as jnp
from jax import lax
from jax.experimental import pallas as pl
from jax.experimental.pallas import tpu as pltpu
from jax.experimental.pallas import tpu_sc as plsc

_DIM = 128
_B = 1024
_S = 200
_N = _B * _S
_NW = 32
_ROWS_PER_W = _N // _NW
_CHUNK = 256
_NCHUNK = _ROWS_PER_W // _CHUNK
_NCB = _DIM // 16
_EPS = 1e-12


def _rsqrt(v):
    i = plsc.bitcast(v, jnp.int32)
    i = 0x5F3759DF - lax.shift_right_arithmetic(i, 1)
    y = plsc.bitcast(i, jnp.float32)
    for _ in range(3):
        y = y * (1.5 - 0.5 * v * y * y)
    return y


def _make_kernel():
    mesh = plsc.VectorSubcoreMesh(core_axis_name="c", subcore_axis_name="s")

    @functools.partial(
        pl.kernel,
        mesh=mesh,
        out_type=jax.ShapeDtypeStruct((_N, _DIM), jnp.float32),
        scratch_types=[
            pltpu.VMEM((_ROWS_PER_W,), jnp.int32),
            pltpu.VMEM((_S, _DIM), jnp.float32),
            pltpu.VMEM((_DIM,), jnp.float32),
            pltpu.VMEM((_DIM,), jnp.float32),
            pltpu.VMEM((_CHUNK, _DIM), jnp.float32),
            pltpu.SemaphoreType.DMA,
        ],
        compiler_params=pltpu.CompilerParams(needs_layout_passes=False),
    )
    def k(ids_hbm, wt_hbm, pos_hbm, gamma_hbm, beta_hbm, out_hbm,
          ids_v, pos_v, gamma_v, beta_v, buf, sem):
        wid = lax.axis_index("s") * 2 + lax.axis_index("c")
        wbase = wid * _ROWS_PER_W

        pltpu.sync_copy(ids_hbm.at[pl.ds(wbase, _ROWS_PER_W)], ids_v)
        pltpu.sync_copy(pos_hbm.at[pl.ds(0, _S)], pos_v)
        pltpu.sync_copy(gamma_hbm, gamma_v)
        pltpu.sync_copy(beta_hbm, beta_v)

        gvec = [gamma_v[pl.ds(c * 16, 16)] for c in range(_NCB)]
        bvec = [beta_v[pl.ds(c * 16, 16)] for c in range(_NCB)]

        def do_row(r, g):
            rr = g * _CHUNK + r
            idsb = plsc.load_gather(ids_v, [jnp.full((16,), 0, jnp.int32) + rr])
            maskf = jnp.where(idsb == 0, 0.0, 1.0).astype(jnp.float32)
            pr = lax.rem(wbase + rr, _S)

            x = []
            s = None
            q = None
            for c in range(_NCB):
                w = buf[r, pl.ds(c * 16, 16)]
                p = pos_v[pr, pl.ds(c * 16, 16)]
                xc = w * maskf + p
                x.append(xc)
                s = xc if s is None else s + xc
                q = xc * xc if q is None else q + xc * xc

            tot = jnp.sum(s)
            totq = jnp.sum(q)
            mean = jnp.full((16,), 0.0, jnp.float32) + tot * (1.0 / _DIM)
            var = jnp.full((16,), 0.0, jnp.float32) + totq * (1.0 / _DIM)
            var = jnp.maximum(var - mean * mean, 0.0)
            rstd = _rsqrt(var + _EPS)
            m2 = mean * rstd

            for c in range(_NCB):
                buf[r, pl.ds(c * 16, 16)] = (x[c] * rstd - m2) * gvec[c] + bvec[c]
            return g

        def do_chunk(g, _):
            idx = ids_v.at[pl.ds(g * _CHUNK, _CHUNK)]
            pltpu.async_copy(wt_hbm.at[idx], buf, sem).wait()
            lax.fori_loop(0, _CHUNK, do_row, g)
            pltpu.sync_copy(buf, out_hbm.at[pl.ds(wbase + g * _CHUNK, _CHUNK)])
            return 0

        lax.fori_loop(0, _NCHUNK, do_chunk, 0)

    return k


_kernel_fn = _make_kernel()


@jax.jit
def kernel(input_ids, word_table, pos_table, gamma, beta):
    ids_flat = input_ids.reshape(_N)
    out = _kernel_fn(ids_flat, word_table, pos_table, gamma, beta)
    return out.reshape(_B, _S, _DIM)

# --- scband reference (transcript-rebuilt; emitter-appended) ---
"""Pipeline reference for scband-embeddings-14980845928829 (READ-ONLY COPY).

The authoritative reference and input builder live on the scoring server;
editing this copy changes nothing except your own understanding.
"""

import jax, jax.numpy as jnp
import numpy as np

VOCAB = 100000
DIM = 128
MAXPOS = 512
B = 1024
S = 200
PAD = 0
EPS = 1e-12


def setup_inputs(seed: int = 0) -> dict:
    key = jax.random.key(seed)
    k1, k2, k3 = jax.random.split(key, 3)
    input_ids = jax.random.randint(k1, (B, S), 0, VOCAB, dtype=jnp.int32)
    word_table = jax.random.normal(k2, (VOCAB, DIM), dtype=jnp.float32) * 0.02
    pos_table = jax.random.normal(k3, (MAXPOS, DIM), dtype=jnp.float32) * 0.02
    gamma = jnp.ones((DIM,), dtype=jnp.float32)
    beta = jnp.zeros((DIM,), dtype=jnp.float32)
    return {"input_ids": input_ids, "word_table": word_table, "pos_table": pos_table, "gamma": gamma, "beta": beta}


def reference(input_ids, word_table, pos_table, gamma, beta):
    # padding_idx row is zero (as in nn.Embedding(padding_idx=...))
    wt = word_table.at[PAD].set(0.0)
    # word embedding gather: [B, S, DIM]
    word_embeddings = jnp.take(wt, input_ids, axis=0)
    # position ids: registered buffer arange(max_pos)[:, :S]
    seq_length = input_ids.shape[1]
    position_ids = jnp.arange(seq_length, dtype=jnp.int32)
    position_embeddings = jnp.take(pos_table, position_ids, axis=0)  # [S, DIM]
    embeddings = word_embeddings + position_embeddings[None, :, :]
    # LayerNorm over last dim, eps=1e-12
    mean = jnp.mean(embeddings, axis=-1, keepdims=True)
    var = jnp.mean(jnp.square(embeddings - mean), axis=-1, keepdims=True)
    normed = (embeddings - mean) / jnp.sqrt(var + EPS)
    out = normed * gamma + beta
    # dropout is identity in eval mode
    return out

if __name__ == "__main__":
    import jax
    _d = setup_inputs()
    print(jax.jit(kernel)(*tuple(_d.values())))

</pallas_src>

<mosaic_0001>
#map = affine_map<(d0, d1) -> (0)>
#map1 = affine_map<(d0, d1) -> (0, 0)>
module attributes {stable_mosaic.version = 14 : i64} {
  func.func @k(%arg0: i32, %arg1: i32, %arg2: memref<204800xi32, #tpu.memory_space<hbm>>, %arg3: memref<100000x128xf32, #tpu.memory_space<hbm>>, %arg4: memref<512x128xf32, #tpu.memory_space<hbm>>, %arg5: memref<128xf32, #tpu.memory_space<hbm>>, %arg6: memref<128xf32, #tpu.memory_space<hbm>>, %arg7: memref<204800x128xf32, #tpu.memory_space<hbm>>, %arg8: memref<6400xi32, #tpu.memory_space<vmem>>, %arg9: memref<200x128xf32, #tpu.memory_space<vmem>>, %arg10: memref<128xf32, #tpu.memory_space<vmem>>, %arg11: memref<128xf32, #tpu.memory_space<vmem>>, %arg12: memref<256x128xf32, #tpu.memory_space<vmem>>, %arg13: memref<!tpu.dma_semaphore, #tpu.memory_space<semaphore_mem>>) attributes {dimension_semantics = [#tpu.dimension_semantics<core_parallel>, #tpu.dimension_semantics<subcore_parallel>], iteration_bounds = array<i64: 2, 16>, scalar_prefetch = 0 : i64, scratch_operands = 6 : i64, tpu.core_type = #tpu.core_type<sc_vector_subcore>, window_params = [{transform_indices = #map}, {transform_indices = #map1}, {transform_indices = #map1}, {transform_indices = #map}, {transform_indices = #map}, {transform_indices = #map1}]} {
    %mul3A = arith.constant 2 : i32
    %mul3A_0 = arith.muli %arg1, %mul3A : i32
    %add3A = arith.addi %mul3A_0, %arg0 : i32
    %mul3A_1 = arith.constant 6400 : i32
    %mul3A_2 = arith.muli %add3A, %mul3A_1 : i32
    "tpu.region"() ({
      %run_scoped3A = tpu.sem_alloc : memref<!tpu.dma_semaphore, #tpu.memory_space<semaphore_mem>>
      %dma_start3A = tpu.memref_slice %arg2[%mul3A_2] : memref<204800xi32, #tpu.memory_space<hbm>> -> memref<6400xi32, #tpu.memory_space<hbm>>
      %dma_start3A_40 = tpu.memref_slice %arg2[%mul3A_2] : memref<204800xi32, #tpu.memory_space<hbm>> -> memref<6400xi32, #tpu.memory_space<hbm>>
      tpu.enqueue_dma source(%dma_start3A_40 : memref<6400xi32, #tpu.memory_space<hbm>>) target(%arg8 : memref<6400xi32, #tpu.memory_space<vmem>>) target_semaphore(%run_scoped3A : memref<!tpu.dma_semaphore, #tpu.memory_space<semaphore_mem>>)
      %dma_wait3A = tpu.memref_slice %arg2[%mul3A_2] : memref<204800xi32, #tpu.memory_space<hbm>> -> memref<6400xi32, #tpu.memory_space<hbm>>
      %dma_wait3A_41 = tpu.memref_slice %arg2[%mul3A_2] : memref<204800xi32, #tpu.memory_space<hbm>> -> memref<6400xi32, #tpu.memory_space<hbm>>
      tpu.wait_dma2 semaphore(%run_scoped3A : memref<!tpu.dma_semaphore, #tpu.memory_space<semaphore_mem>>) src(%dma_wait3A_41 : memref<6400xi32, #tpu.memory_space<hbm>>) dst(%arg8 : memref<6400xi32, #tpu.memory_space<vmem>>)
      tpu.yield
    }) : () -> ()
    "tpu.region"() ({
      %run_scoped3A = tpu.sem_alloc : memref<!tpu.dma_semaphore, #tpu.memory_space<semaphore_mem>>
      %dma_start3A = arith.constant 0 : i32
      %dma_start3A_40 = arith.constant 0 : i32
      %dma_start3A_41 = tpu.memref_slice %arg4[%dma_start3A, %dma_start3A_40] : memref<512x128xf32, #tpu.memory_space<hbm>> -> memref<200x128xf32, #tpu.memory_space<hbm>>
      %dma_start3A_42 = arith.constant 0 : i32
      %dma_start3A_43 = arith.constant 0 : i32
      %dma_start3A_44 = tpu.memref_slice %arg4[%dma_start3A_42, %dma_start3A_43] : memref<512x128xf32, #tpu.memory_space<hbm>> -> memref<200x128xf32, #tpu.memory_space<hbm>>
      tpu.enqueue_dma source(%dma_start3A_44 : memref<200x128xf32, #tpu.memory_space<hbm>>) target(%arg9 : memref<200x128xf32, #tpu.memory_space<vmem>>) target_semaphore(%run_scoped3A : memref<!tpu.dma_semaphore, #tpu.memory_space<semaphore_mem>>)
      %dma_wait3A = arith.constant 0 : i32
      %dma_wait3A_45 = arith.constant 0 : i32
      %dma_wait3A_46 = tpu.memref_slice %arg4[%dma_wait3A, %dma_wait3A_45] : memref<512x128xf32, #tpu.memory_space<hbm>> -> memref<200x128xf32, #tpu.memory_space<hbm>>
      %dma_wait3A_47 = arith.constant 0 : i32
      %dma_wait3A_48 = arith.constant 0 : i32
      %dma_wait3A_49 = tpu.memref_slice %arg4[%dma_wait3A_47, %dma_wait3A_48] : memref<512x128xf32, #tpu.memory_space<hbm>> -> memref<200x128xf32, #tpu.memory_space<hbm>>
      tpu.wait_dma2 semaphore(%run_scoped3A : memref<!tpu.dma_semaphore, #tpu.memory_space<semaphore_mem>>) src(%dma_wait3A_49 : memref<200x128xf32, #tpu.memory_space<hbm>>) dst(%arg9 : memref<200x128xf32, #tpu.memory_space<vmem>>)
      tpu.yield
    }) : () -> ()
    "tpu.region"() ({
      %run_scoped3A = tpu.sem_alloc : memref<!tpu.dma_semaphore, #tpu.memory_space<semaphore_mem>>
      tpu.enqueue_dma source(%arg5 : memref<128xf32, #tpu.memory_space<hbm>>) target(%arg10 : memref<128xf32, #tpu.memory_space<vmem>>) target_semaphore(%run_scoped3A : memref<!tpu.dma_semaphore, #tpu.memory_space<semaphore_mem>>)
      tpu.wait_dma2 semaphore(%run_scoped3A : memref<!tpu.dma_semaphore, #tpu.memory_space<semaphore_mem>>) src(%arg5 : memref<128xf32, #tpu.memory_space<hbm>>) dst(%arg10 : memref<128xf32, #tpu.memory_space<vmem>>)
      tpu.yield
    }) : () -> ()
    "tpu.region"() ({
      %run_scoped3A = tpu.sem_alloc : memref<!tpu.dma_semaphore, #tpu.memory_space<semaphore_mem>>
      tpu.enqueue_dma source(%arg6 : memref<128xf32, #tpu.memory_space<hbm>>) target(%arg11 : memref<128xf32, #tpu.memory_space<vmem>>) target_semaphore(%run_scoped3A : memref<!tpu.dma_semaphore, #tpu.memory_space<semaphore_mem>>)
      tpu.wait_dma2 semaphore(%run_scoped3A : memref<!tpu.dma_semaphore, #tpu.memory_space<semaphore_mem>>) src(%arg6 : memref<128xf32, #tpu.memory_space<hbm>>) dst(%arg11 : memref<128xf32, #tpu.memory_space<vmem>>)
      tpu.yield
    }) : () -> ()
    %get3A = arith.constant 0 : index
    %get3A_3 = tpu.vector_load %arg10[%get3A] {strides = array<i32>} : memref<128xf32, #tpu.memory_space<vmem>>, vector<16xf32>,
    %get3A_4 = arith.constant 16 : index
    %get3A_5 = tpu.vector_load %arg10[%get3A_4] {strides = array<i32>} : memref<128xf32, #tpu.memory_space<vmem>>, vector<16xf32>,
    %get3A_6 = arith.constant 32 : index
    %get3A_7 = tpu.vector_load %arg10[%get3A_6] {strides = array<i32>} : memref<128xf32, #tpu.memory_space<vmem>>, vector<16xf32>,
    %get3A_8 = arith.constant 48 : index
    %get3A_9 = tpu.vector_load %arg10[%get3A_8] {strides = array<i32>} : memref<128xf32, #tpu.memory_space<vmem>>, vector<16xf32>,
    %get3A_10 = arith.constant 64 : index
    %get3A_11 = tpu.vector_load %arg10[%get3A_10] {strides = array<i32>} : memref<128xf32, #tpu.memory_space<vmem>>, vector<16xf32>,
    %get3A_12 = arith.constant 80 : index
    %get3A_13 = tpu.vector_load %arg10[%get3A_12] {strides = array<i32>} : memref<128xf32, #tpu.memory_space<vmem>>, vector<16xf32>,
    %get3A_14 = arith.constant 96 : index
    %get3A_15 = tpu.vector_load %arg10[%get3A_14] {strides = array<i32>} : memref<128xf32, #tpu.memory_space<vmem>>, vector<16xf32>,
    %get3A_16 = arith.constant 112 : index
    %get3A_17 = tpu.vector_load %arg10[%get3A_16] {strides = array<i32>} : memref<128xf32, #tpu.memory_space<vmem>>, vector<16xf32>,
    %get3A_18 = arith.constant 0 : index
    %get3A_19 = tpu.vector_load %arg11[%get3A_18] {strides = array<i32>} : memref<128xf32, #tpu.memory_space<vmem>>, vector<16xf32>,
    %get3A_20 = arith.constant 16 : index
    %get3A_21 = tpu.vector_load %arg11[%get3A_20] {strides = array<i32>} : memref<128xf32, #tpu.memory_space<vmem>>, vector<16xf32>,
    %get3A_22 = arith.constant 32 : index
    %get3A_23 = tpu.vector_load %arg11[%get3A_22] {strides = array<i32>} : memref<128xf32, #tpu.memory_space<vmem>>, vector<16xf32>,
    %get3A_24 = arith.constant 48 : index
    %get3A_25 = tpu.vector_load %arg11[%get3A_24] {strides = array<i32>} : memref<128xf32, #tpu.memory_space<vmem>>, vector<16xf32>,
    %get3A_26 = arith.constant 64 : index
    %get3A_27 = tpu.vector_load %arg11[%get3A_26] {strides = array<i32>} : memref<128xf32, #tpu.memory_space<vmem>>, vector<16xf32>,
    %get3A_28 = arith.constant 80 : index
    %get3A_29 = tpu.vector_load %arg11[%get3A_28] {strides = array<i32>} : memref<128xf32, #tpu.memory_space<vmem>>, vector<16xf32>,
    %get3A_30 = arith.constant 96 : index
    %get3A_31 = tpu.vector_load %arg11[%get3A_30] {strides = array<i32>} : memref<128xf32, #tpu.memory_space<vmem>>, vector<16xf32>,
    %get3A_32 = arith.constant 112 : index
    %get3A_33 = tpu.vector_load %arg11[%get3A_32] {strides = array<i32>} : memref<128xf32, #tpu.memory_space<vmem>>, vector<16xf32>,
    %scan3A = arith.constant 0 : i32
    %scan3A_34 = arith.constant 0 : i32
    %scan3A_35 = arith.constant 25 : i32
    %scan3A_36 = arith.addi %scan3A_34, %scan3A_35 : i32
    %scan3A_37 = arith.constant 1 : i32
    %scan3A_38 = scf.for %scan3A_40 = %scan3A_34 to %scan3A_36 step %scan3A_37 iter_args(%scan3A_41 = %scan3A) -> (i32)  : i32 {
      %mul3A_42 = arith.constant 256 : i32
      %mul3A_43 = arith.muli %scan3A_40, %mul3A_42 : i32
      %dma_start3A = tpu.memref_slice %arg8[%mul3A_43] : memref<6400xi32, #tpu.memory_space<vmem>> -> memref<256xi32, #tpu.memory_space<vmem>>
      %dma_start3A_44 = arith.constant 0 : i32
      %dma_start3A_45 = arith.constant 0 : i32
      %dma_start3A_46 = tpu.memref_slice %arg3[%dma_start3A_44, %dma_start3A_45] : memref<100000x128xf32, #tpu.memory_space<hbm>> -> memref<100000x128xf32, #tpu.memory_space<hbm>>
      tpu.enqueue_indirect_dma source(%dma_start3A_46 : memref<100000x128xf32, #tpu.memory_space<hbm>>) target(%arg12 : memref<256x128xf32, #tpu.memory_space<vmem>>) offsets(%dma_start3A : memref<256xi32, #tpu.memory_space<vmem>>) semaphore(%arg13 : memref<!tpu.dma_semaphore, #tpu.memory_space<semaphore_mem>>)
      %dma_wait3A = tpu.memref_slice %arg8[%mul3A_43] : memref<6400xi32, #tpu.memory_space<vmem>> -> memref<256xi32, #tpu.memory_space<vmem>>
      %dma_wait3A_47 = arith.constant 0 : i32
      %dma_wait3A_48 = arith.constant 0 : i32
      %dma_wait3A_49 = tpu.memref_slice %arg3[%dma_wait3A_47, %dma_wait3A_48] : memref<100000x128xf32, #tpu.memory_space<hbm>> -> memref<100000x128xf32, #tpu.memory_space<hbm>>
      tpu.wait_indirect_dma semaphore(%arg13 : memref<!tpu.dma_semaphore, #tpu.memory_space<semaphore_mem>>) src(%dma_wait3A_49 : memref<100000x128xf32, #tpu.memory_space<hbm>>) dst(%arg12 : memref<256x128xf32, #tpu.memory_space<vmem>>)
      %scan3A_50 = arith.constant 0 : i32
      %scan3A_51 = arith.constant 256 : i32
      %scan3A_52 = arith.addi %scan3A_50, %scan3A_51 : i32
      %scan3A_53 = arith.constant 1 : i32
      scf.for %scan3A_59 = %scan3A_50 to %scan3A_52 step %scan3A_53  : i32 {
        %mul3A_60 = arith.constant 256 : i32
        %mul3A_61 = arith.muli %scan3A_40, %mul3A_60 : i32
        %add3A_62 = arith.addi %mul3A_61, %scan3A_59 : i32
        %broadcast_in_dim3A = arith.constant 0 : i32
        %broadcast_in_dim3A_63 = vector.broadcast %broadcast_in_dim3A : i32 to vector<16xi32>
        %add3A_64 = vector.broadcast %add3A_62 : i32 to vector<16xi32>
        %add3A_65 = arith.addi %broadcast_in_dim3A_63, %add3A_64 : vector<16xi32>
        %gather3A = tpu.vector_load_idx %arg8[%add3A_65] : memref<6400xi32, #tpu.memory_space<vmem>>[vector<16xi32>], vector<16xi32>,
        %eq3A = arith.constant 0 : i32
        %eq3A_66 = vector.broadcast %eq3A : i32 to vector<16xi32>
        %eq3A_67 = arith.cmpi eq, %gather3A, %eq3A_66 : vector<16xi32>
        %jit3A = arith.constant 0.000000e+00 : f32
        %jit3A_68 = arith.constant 1.000000e+00 : f32
        %broadcast_in_dim3A_69 = vector.broadcast %jit3A : f32 to vector<16xf32>
        %broadcast_in_dim3A_70 = vector.broadcast %jit3A_68 : f32 to vector<16xf32>
        %select_n3A = arith.select %eq3A_67, %broadcast_in_dim3A_69, %broadcast_in_dim3A_70 : vector<16xi1>, vector<16xf32>
        %add3A_71 = arith.addi %mul3A_2, %add3A_62 : i32
        %rem3A = arith.constant 200 : i32
        %rem3A_72 = arith.remsi %add3A_71, %rem3A : i32
        %get3A_73 = arith.index_cast %scan3A_59 : i32 to index
        %get3A_74 = arith.constant 0 : index
        %get3A_75 = tpu.vector_load %arg12[%get3A_73, %get3A_74] {strides = array<i32>} : memref<256x128xf32, #tpu.memory_space<vmem>>, vector<16xf32>,
        %get3A_76 = arith.index_cast %rem3A_72 : i32 to index
        %get3A_77 = arith.constant 0 : index
        %get3A_78 = tpu.vector_load %arg9[%get3A_76, %get3A_77] {strides = array<i32>} : memref<200x128xf32, #tpu.memory_space<vmem>>, vector<16xf32>,
        %mul3A_79 = arith.mulf %get3A_75, %select_n3A : vector<16xf32>
        %add3A_80 = arith.addf %mul3A_79, %get3A_78 : vector<16xf32>
        %mul3A_81 = arith.mulf %add3A_80, %add3A_80 : vector<16xf32>
        %get3A_82 = arith.index_cast %scan3A_59 : i32 to index
        %get3A_83 = arith.constant 16 : index
        %get3A_84 = tpu.vector_load %arg12[%get3A_82, %get3A_83] {strides = array<i32>} : memref<256x128xf32, #tpu.memory_space<vmem>>, vector<16xf32>,
        %get3A_85 = arith.index_cast %rem3A_72 : i32 to index
        %get3A_86 = arith.constant 16 : index
        %get3A_87 = tpu.vector_load %arg9[%get3A_85, %get3A_86] {strides = array<i32>} : memref<200x128xf32, #tpu.memory_space<vmem>>, vector<16xf32>,
        %mul3A_88 = arith.mulf %get3A_84, %select_n3A : vector<16xf32>
        %add3A_89 = arith.addf %mul3A_88, %get3A_87 : vector<16xf32>
        %add3A_90 = arith.addf %add3A_80, %add3A_89 : vector<16xf32>
        %mul3A_91 = arith.mulf %add3A_89, %add3A_89 : vector<16xf32>
        %add3A_92 = arith.addf %mul3A_81, %mul3A_91 : vector<16xf32>
        %get3A_93 = arith.index_cast %scan3A_59 : i32 to index
        %get3A_94 = arith.constant 32 : index
        %get3A_95 = tpu.vector_load %arg12[%get3A_93, %get3A_94] {strides = array<i32>} : memref<256x128xf32, #tpu.memory_space<vmem>>, vector<16xf32>,
        %get3A_96 = arith.index_cast %rem3A_72 : i32 to index
        %get3A_97 = arith.constant 32 : index
        %get3A_98 = tpu.vector_load %arg9[%get3A_96, %get3A_97] {strides = array<i32>} : memref<200x128xf32, #tpu.memory_space<vmem>>, vector<16xf32>,
        %mul3A_99 = arith.mulf %get3A_95, %select_n3A : vector<16xf32>
        %add3A_100 = arith.addf %mul3A_99, %get3A_98 : vector<16xf32>
        %add3A_101 = arith.addf %add3A_90, %add3A_100 : vector<16xf32>
        %mul3A_102 = arith.mulf %add3A_100, %add3A_100 : vector<16xf32>
        %add3A_103 = arith.addf %add3A_92, %mul3A_102 : vector<16xf32>
        %get3A_104 = arith.index_cast %scan3A_59 : i32 to index
        %get3A_105 = arith.constant 48 : index
        %get3A_106 = tpu.vector_load %arg12[%get3A_104, %get3A_105] {strides = array<i32>} : memref<256x128xf32, #tpu.memory_space<vmem>>, vector<16xf32>,
        %get3A_107 = arith.index_cast %rem3A_72 : i32 to index
        %get3A_108 = arith.constant 48 : index
        %get3A_109 = tpu.vector_load %arg9[%get3A_107, %get3A_108] {strides = array<i32>} : memref<200x128xf32, #tpu.memory_space<vmem>>, vector<16xf32>,
        %mul3A_110 = arith.mulf %get3A_106, %select_n3A : vector<16xf32>
        %add3A_111 = arith.addf %mul3A_110, %get3A_109 : vector<16xf32>
        %add3A_112 = arith.addf %add3A_101, %add3A_111 : vector<16xf32>
        %mul3A_113 = arith.mulf %add3A_111, %add3A_111 : vector<16xf32>
        %add3A_114 = arith.addf %add3A_103, %mul3A_113 : vector<16xf32>
        %get3A_115 = arith.index_cast %scan3A_59 : i32 to index
        %get3A_116 = arith.constant 64 : index
        %get3A_117 = tpu.vector_load %arg12[%get3A_115, %get3A_116] {strides = array<i32>} : memref<256x128xf32, #tpu.memory_space<vmem>>, vector<16xf32>,
        %get3A_118 = arith.index_cast %rem3A_72 : i32 to index
        %get3A_119 = arith.constant 64 : index
        %get3A_120 = tpu.vector_load %arg9[%get3A_118, %get3A_119] {strides = array<i32>} : memref<200x128xf32, #tpu.memory_space<vmem>>, vector<16xf32>,
        %mul3A_121 = arith.mulf %get3A_117, %select_n3A : vector<16xf32>
        %add3A_122 = arith.addf %mul3A_121, %get3A_120 : vector<16xf32>
        %add3A_123 = arith.addf %add3A_112, %add3A_122 : vector<16xf32>
        %mul3A_124 = arith.mulf %add3A_122, %add3A_122 : vector<16xf32>
        %add3A_125 = arith.addf %add3A_114, %mul3A_124 : vector<16xf32>
        %get3A_126 = arith.index_cast %scan3A_59 : i32 to index
        %get3A_127 = arith.constant 80 : index
        %get3A_128 = tpu.vector_load %arg12[%get3A_126, %get3A_127] {strides = array<i32>} : memref<256x128xf32, #tpu.memory_space<vmem>>, vector<16xf32>,
        %get3A_129 = arith.index_cast %rem3A_72 : i32 to index
        %get3A_130 = arith.constant 80 : index
        %get3A_131 = tpu.vector_load %arg9[%get3A_129, %get3A_130] {strides = array<i32>} : memref<200x128xf32, #tpu.memory_space<vmem>>, vector<16xf32>,
        %mul3A_132 = arith.mulf %get3A_128, %select_n3A : vector<16xf32>
        %add3A_133 = arith.addf %mul3A_132, %get3A_131 : vector<16xf32>
        %add3A_134 = arith.addf %add3A_123, %add3A_133 : vector<16xf32>
        %mul3A_135 = arith.mulf %add3A_133, %add3A_133 : vector<16xf32>
        %add3A_136 = arith.addf %add3A_125, %mul3A_135 : vector<16xf32>
        %get3A_137 = arith.index_cast %scan3A_59 : i32 to index
        %get3A_138 = arith.constant 96 : index
        %get3A_139 = tpu.vector_load %arg12[%get3A_137, %get3A_138] {strides = array<i32>} : memref<256x128xf32, #tpu.memory_space<vmem>>, vector<16xf32>,
        %get3A_140 = arith.index_cast %rem3A_72 : i32 to index
        %get3A_141 = arith.constant 96 : index
        %get3A_142 = tpu.vector_load %arg9[%get3A_140, %get3A_141] {strides = array<i32>} : memref<200x128xf32, #tpu.memory_space<vmem>>, vector<16xf32>,
        %mul3A_143 = arith.mulf %get3A_139, %select_n3A : vector<16xf32>
        %add3A_144 = arith.addf %mul3A_143, %get3A_142 : vector<16xf32>
        %add3A_145 = arith.addf %add3A_134, %add3A_144 : vector<16xf32>
        %mul3A_146 = arith.mulf %add3A_144, %add3A_144 : vector<16xf32>
        %add3A_147 = arith.addf %add3A_136, %mul3A_146 : vector<16xf32>
        %get3A_148 = arith.index_cast %scan3A_59 : i32 to index
        %get3A_149 = arith.constant 112 : index
        %get3A_150 = tpu.vector_load %arg12[%get3A_148, %get3A_149] {strides = array<i32>} : memref<256x128xf32, #tpu.memory_space<vmem>>, vector<16xf32>,
        %get3A_151 = arith.index_cast %rem3A_72 : i32 to index
        %get3A_152 = arith.constant 112 : index
        %get3A_153 = tpu.vector_load %arg9[%get3A_151, %get3A_152] {strides = array<i32>} : memref<200x128xf32, #tpu.memory_space<vmem>>, vector<16xf32>,
        %mul3A_154 = arith.mulf %get3A_150, %select_n3A : vector<16xf32>
        %add3A_155 = arith.addf %mul3A_154, %get3A_153 : vector<16xf32>
        %add3A_156 = arith.addf %add3A_145, %add3A_155 : vector<16xf32>
        %mul3A_157 = arith.mulf %add3A_155, %add3A_155 : vector<16xf32>
        %add3A_158 = arith.addf %add3A_147, %mul3A_157 : vector<16xf32>
        %reduce_sum3A = arith.constant true
        %reduce_sum3A_159 = vector.broadcast %reduce_sum3A : i1 to vector<16xi1>
        %reduce_sum3A_160 = tpu.scan <sum>, %add3A_156 masked %reduce_sum3A_159 : vector<16xf32>, vector<16xi1> -> vector<16xf32>
        %reduce_sum3A_161 = vector.extract %reduce_sum3A_160[15] : f32 from vector<16xf32>
        %reduce_sum3A_162 = arith.constant true
        %reduce_sum3A_163 = vector.broadcast %reduce_sum3A_162 : i1 to vector<16xi1>
        %reduce_sum3A_164 = tpu.scan <sum>, %add3A_158 masked %reduce_sum3A_163 : vector<16xf32>, vector<16xi1> -> vector<16xf32>
        %reduce_sum3A_165 = vector.extract %reduce_sum3A_164[15] : f32 from vector<16xf32>
        %broadcast_in_dim3A_166 = arith.constant 0.000000e+00 : f32
        %broadcast_in_dim3A_167 = vector.broadcast %broadcast_in_dim3A_166 : f32 to vector<16xf32>
        %mul3A_168 = arith.constant 7.812500e-03 : f32
        %mul3A_169 = arith.mulf %reduce_sum3A_161, %mul3A_168 : f32
        %add3A_170 = vector.broadcast %mul3A_169 : f32 to vector<16xf32>
        %add3A_171 = arith.addf %broadcast_in_dim3A_167, %add3A_170 : vector<16xf32>
        %broadcast_in_dim3A_172 = arith.constant 0.000000e+00 : f32
        %broadcast_in_dim3A_173 = vector.broadcast %broadcast_in_dim3A_172 : f32 to vector<16xf32>
        %mul3A_174 = arith.constant 7.812500e-03 : f32
        %mul3A_175 = arith.mulf %reduce_sum3A_165, %mul3A_174 : f32
        %add3A_176 = vector.broadcast %mul3A_175 : f32 to vector<16xf32>
        %add3A_177 = arith.addf %broadcast_in_dim3A_173, %add3A_176 : vector<16xf32>
        %mul3A_178 = arith.mulf %add3A_171, %add3A_171 : vector<16xf32>
        %sub3A = arith.subf %add3A_177, %mul3A_178 : vector<16xf32>
        %max3A = arith.constant 0.000000e+00 : f32
        %max3A_179 = vector.broadcast %max3A : f32 to vector<16xf32>
        %max3A_180 = arith.maximumf %sub3A, %max3A_179 : vector<16xf32>
        %add3A_181 = arith.constant 9.99999996E-13 : f32
        %add3A_182 = vector.broadcast %add3A_181 : f32 to vector<16xf32>
        %add3A_183 = arith.addf %max3A_180, %add3A_182 : vector<16xf32>
        %bitcast3A = vector.bitcast %add3A_183 : vector<16xf32> to vector<16xi32>
        %shift_right_arithmetic3A = arith.constant 1 : i32
        %shift_right_arithmetic3A_184 = vector.broadcast %shift_right_arithmetic3A : i32 to vector<16xi32>
        %shift_right_arithmetic3A_185 = arith.shrsi %bitcast3A, %shift_right_arithmetic3A_184 : vector<16xi32>
        %sub3A_186 = arith.constant 1597463007 : i32
        %sub3A_187 = vector.broadcast %sub3A_186 : i32 to vector<16xi32>
        %sub3A_188 = arith.subi %sub3A_187, %shift_right_arithmetic3A_185 : vector<16xi32>
        %bitcast3A_189 = vector.bitcast %sub3A_188 : vector<16xi32> to vector<16xf32>
        %mul3A_190 = arith.constant 5.000000e-01 : f32
        %mul3A_191 = vector.broadcast %mul3A_190 : f32 to vector<16xf32>
        %mul3A_192 = arith.mulf %mul3A_191, %add3A_183 : vector<16xf32>
        %mul3A_193 = arith.mulf %mul3A_192, %bitcast3A_189 : vector<16xf32>
        %mul3A_194 = arith.mulf %mul3A_193, %bitcast3A_189 : vector<16xf32>
        %sub3A_195 = arith.constant 1.500000e+00 : f32
        %sub3A_196 = vector.broadcast %sub3A_195 : f32 to vector<16xf32>
        %sub3A_197 = arith.subf %sub3A_196, %mul3A_194 : vector<16xf32>
        %mul3A_198 = arith.mulf %bitcast3A_189, %sub3A_197 : vector<16xf32>
        %mul3A_199 = arith.constant 5.000000e-01 : f32
        %mul3A_200 = vector.broadcast %mul3A_199 : f32 to vector<16xf32>
        %mul3A_201 = arith.mulf %mul3A_200, %add3A_183 : vector<16xf32>
        %mul3A_202 = arith.mulf %mul3A_201, %mul3A_198 : vector<16xf32>
        %mul3A_203 = arith.mulf %mul3A_202, %mul3A_198 : vector<16xf32>
        %sub3A_204 = arith.constant 1.500000e+00 : f32
        %sub3A_205 = vector.broadcast %sub3A_204 : f32 to vector<16xf32>
        %sub3A_206 = arith.subf %sub3A_205, %mul3A_203 : vector<16xf32>
        %mul3A_207 = arith.mulf %mul3A_198, %sub3A_206 : vector<16xf32>
        %mul3A_208 = arith.constant 5.000000e-01 : f32
        %mul3A_209 = vector.broadcast %mul3A_208 : f32 to vector<16xf32>
        %mul3A_210 = arith.mulf %mul3A_209, %add3A_183 : vector<16xf32>
        %mul3A_211 = arith.mulf %mul3A_210, %mul3A_207 : vector<16xf32>
        %mul3A_212 = arith.mulf %mul3A_211, %mul3A_207 : vector<16xf32>
        %sub3A_213 = arith.constant 1.500000e+00 : f32
        %sub3A_214 = vector.broadcast %sub3A_213 : f32 to vector<16xf32>
        %sub3A_215 = arith.subf %sub3A_214, %mul3A_212 : vector<16xf32>
        %mul3A_216 = arith.mulf %mul3A_207, %sub3A_215 : vector<16xf32>
        %mul3A_217 = arith.mulf %add3A_171, %mul3A_216 : vector<16xf32>
        %mul3A_218 = arith.mulf %add3A_80, %mul3A_216 : vector<16xf32>
        %sub3A_219 = arith.subf %mul3A_218, %mul3A_217 : vector<16xf32>
        %mul3A_220 = arith.mulf %sub3A_219, %get3A_3 : vector<16xf32>
        %add3A_221 = arith.addf %mul3A_220, %get3A_19 : vector<16xf32>
        %swap3A = arith.index_cast %scan3A_59 : i32 to index
        %swap3A_222 = arith.constant 0 : index
        %swap3A_223 = tpu.vector_load %arg12[%swap3A, %swap3A_222] {strides = array<i32>} : memref<256x128xf32, #tpu.memory_space<vmem>>, vector<16xf32>,
        tpu.vector_store %arg12[%swap3A, %swap3A_222], %add3A_221 {strides = array<i32>} : memref<256x128xf32, #tpu.memory_space<vmem>>, vector<16xf32>,
        %mul3A_224 = arith.mulf %add3A_89, %mul3A_216 : vector<16xf32>
        %sub3A_225 = arith.subf %mul3A_224, %mul3A_217 : vector<16xf32>
        %mul3A_226 = arith.mulf %sub3A_225, %get3A_5 : vector<16xf32>
        %add3A_227 = arith.addf %mul3A_226, %get3A_21 : vector<16xf32>
        %swap3A_228 = arith.index_cast %scan3A_59 : i32 to index
        %swap3A_229 = arith.constant 16 : index
        %swap3A_230 = tpu.vector_load %arg12[%swap3A_228, %swap3A_229] {strides = array<i32>} : memref<256x128xf32, #tpu.memory_space<vmem>>, vector<16xf32>,
        tpu.vector_store %arg12[%swap3A_228, %swap3A_229], %add3A_227 {strides = array<i32>} : memref<256x128xf32, #tpu.memory_space<vmem>>, vector<16xf32>,
        %mul3A_231 = arith.mulf %add3A_100, %mul3A_216 : vector<16xf32>
        %sub3A_232 = arith.subf %mul3A_231, %mul3A_217 : vector<16xf32>
        %mul3A_233 = arith.mulf %sub3A_232, %get3A_7 : vector<16xf32>
        %add3A_234 = arith.addf %mul3A_233, %get3A_23 : vector<16xf32>
        %swap3A_235 = arith.index_cast %scan3A_59 : i32 to index
        %swap3A_236 = arith.constant 32 : index
        %swap3A_237 = tpu.vector_load %arg12[%swap3A_235, %swap3A_236] {strides = array<i32>} : memref<256x128xf32, #tpu.memory_space<vmem>>, vector<16xf32>,
        tpu.vector_store %arg12[%swap3A_235, %swap3A_236], %add3A_234 {strides = array<i32>} : memref<256x128xf32, #tpu.memory_space<vmem>>, vector<16xf32>,
        %mul3A_238 = arith.mulf %add3A_111, %mul3A_216 : vector<16xf32>
        %sub3A_239 = arith.subf %mul3A_238, %mul3A_217 : vector<16xf32>
        %mul3A_240 = arith.mulf %sub3A_239, %get3A_9 : vector<16xf32>
        %add3A_241 = arith.addf %mul3A_240, %get3A_25 : vector<16xf32>
        %swap3A_242 = arith.index_cast %scan3A_59 : i32 to index
        %swap3A_243 = arith.constant 48 : index
        %swap3A_244 = tpu.vector_load %arg12[%swap3A_242, %swap3A_243] {strides = array<i32>} : memref<256x128xf32, #tpu.memory_space<vmem>>, vector<16xf32>,
        tpu.vector_store %arg12[%swap3A_242, %swap3A_243], %add3A_241 {strides = array<i32>} : memref<256x128xf32, #tpu.memory_space<vmem>>, vector<16xf32>,
        %mul3A_245 = arith.mulf %add3A_122, %mul3A_216 : vector<16xf32>
        %sub3A_246 = arith.subf %mul3A_245, %mul3A_217 : vector<16xf32>
        %mul3A_247 = arith.mulf %sub3A_246, %get3A_11 : vector<16xf32>
        %add3A_248 = arith.addf %mul3A_247, %get3A_27 : vector<16xf32>
        %swap3A_249 = arith.index_cast %scan3A_59 : i32 to index
        %swap3A_250 = arith.constant 64 : index
        %swap3A_251 = tpu.vector_load %arg12[%swap3A_249, %swap3A_250] {strides = array<i32>} : memref<256x128xf32, #tpu.memory_space<vmem>>, vector<16xf32>,
        tpu.vector_store %arg12[%swap3A_249, %swap3A_250], %add3A_248 {strides = array<i32>} : memref<256x128xf32, #tpu.memory_space<vmem>>, vector<16xf32>,
        %mul3A_252 = arith.mulf %add3A_133, %mul3A_216 : vector<16xf32>
        %sub3A_253 = arith.subf %mul3A_252, %mul3A_217 : vector<16xf32>
        %mul3A_254 = arith.mulf %sub3A_253, %get3A_13 : vector<16xf32>
        %add3A_255 = arith.addf %mul3A_254, %get3A_29 : vector<16xf32>
        %swap3A_256 = arith.index_cast %scan3A_59 : i32 to index
        %swap3A_257 = arith.constant 80 : index
        %swap3A_258 = tpu.vector_load %arg12[%swap3A_256, %swap3A_257] {strides = array<i32>} : memref<256x128xf32, #tpu.memory_space<vmem>>, vector<16xf32>,
        tpu.vector_store %arg12[%swap3A_256, %swap3A_257], %add3A_255 {strides = array<i32>} : memref<256x128xf32, #tpu.memory_space<vmem>>, vector<16xf32>,
        %mul3A_259 = arith.mulf %add3A_144, %mul3A_216 : vector<16xf32>
        %sub3A_260 = arith.subf %mul3A_259, %mul3A_217 : vector<16xf32>
        %mul3A_261 = arith.mulf %sub3A_260, %get3A_15 : vector<16xf32>
        %add3A_262 = arith.addf %mul3A_261, %get3A_31 : vector<16xf32>
        %swap3A_263 = arith.index_cast %scan3A_59 : i32 to index
        %swap3A_264 = arith.constant 96 : index
        %swap3A_265 = tpu.vector_load %arg12[%swap3A_263, %swap3A_264] {strides = array<i32>} : memref<256x128xf32, #tpu.memory_space<vmem>>, vector<16xf32>,
        tpu.vector_store %arg12[%swap3A_263, %swap3A_264], %add3A_262 {strides = array<i32>} : memref<256x128xf32, #tpu.memory_space<vmem>>, vector<16xf32>,
        %mul3A_266 = arith.mulf %add3A_155, %mul3A_216 : vector<16xf32>
        %sub3A_267 = arith.subf %mul3A_266, %mul3A_217 : vector<16xf32>
        %mul3A_268 = arith.mulf %sub3A_267, %get3A_17 : vector<16xf32>
        %add3A_269 = arith.addf %mul3A_268, %get3A_33 : vector<16xf32>
        %swap3A_270 = arith.index_cast %scan3A_59 : i32 to index
        %swap3A_271 = arith.constant 112 : index
        %swap3A_272 = tpu.vector_load %arg12[%swap3A_270, %swap3A_271] {strides = array<i32>} : memref<256x128xf32, #tpu.memory_space<vmem>>, vector<16xf32>,
        tpu.vector_store %arg12[%swap3A_270, %swap3A_271], %add3A_269 {strides = array<i32>} : memref<256x128xf32, #tpu.memory_space<vmem>>, vector<16xf32>,
      }
      %scan3A_54 = arith.constant 256 : i32
      %mul3A_55 = arith.constant 256 : i32
      %mul3A_56 = arith.muli %scan3A_40, %mul3A_55 : i32
      %add3A_57 = arith.addi %mul3A_2, %mul3A_56 : i32
      "tpu.region"() ({
        %run_scoped3A = tpu.sem_alloc : memref<!tpu.dma_semaphore, #tpu.memory_space<semaphore_mem>>
        %dma_start3A_59 = arith.constant 0 : i32
        %dma_start3A_60 = tpu.memref_slice %arg7[%add3A_57, %dma_start3A_59] : memref<204800x128xf32, #tpu.memory_space<hbm>> -> memref<256x128xf32, #tpu.memory_space<hbm>>
        %dma_start3A_61 = arith.constant 0 : i32
        %dma_start3A_62 = tpu.memref_slice %arg7[%add3A_57, %dma_start3A_61] : memref<204800x128xf32, #tpu.memory_space<hbm>> -> memref<256x128xf32, #tpu.memory_space<hbm>>
        tpu.enqueue_dma source(%arg12 : memref<256x128xf32, #tpu.memory_space<vmem>>) target(%dma_start3A_62 : memref<256x128xf32, #tpu.memory_space<hbm>>) target_semaphore(%run_scoped3A : memref<!tpu.dma_semaphore, #tpu.memory_space<semaphore_mem>>)
        %dma_wait3A_63 = arith.constant 0 : i32
        %dma_wait3A_64 = tpu.memref_slice %arg7[%add3A_57, %dma_wait3A_63] : memref<204800x128xf32, #tpu.memory_space<hbm>> -> memref<256x128xf32, #tpu.memory_space<hbm>>
        %dma_wait3A_65 = arith.constant 0 : i32
        %dma_wait3A_66 = tpu.memref_slice %arg7[%add3A_57, %dma_wait3A_65] : memref<204800x128xf32, #tpu.memory_space<hbm>> -> memref<256x128xf32, #tpu.memory_space<hbm>>
        tpu.wait_dma2 semaphore(%run_scoped3A : memref<!tpu.dma_semaphore, #tpu.memory_space<semaphore_mem>>) src(%arg12 : memref<256x128xf32, #tpu.memory_space<vmem>>) dst(%dma_wait3A_66 : memref<256x128xf32, #tpu.memory_space<hbm>>)
        tpu.yield
      }) : () -> ()
      %scan3A_58 = arith.constant 0 : i32
      scf.yield %scan3A_58 : i32
    }
    %scan3A_39 = arith.constant 25 : i32
    return
  }
}

</mosaic_0001>

<sc_bundles>
// kernel: kernel.3.cloned.1.call-start
scs
__scs_entry_jumppad:
0x0: {  	(pc) =	sbr.rel $0x88, $3  }
0x1: {  	(tag) =	ssettag $0x0;
	lr =	simm.s32 $0x1  }
0x2: {  	[smem:$0x3F9C] =	sst lr;
	_ =	strace $0xD0000000  }
0x3: {  	_ = 	snop  }
0x4: {  	_ = 	snop  }
0x5: {  	_ = 	snop  }
0x6: {  	_ = 	snop  }
0x7: {  	_ = 	snop  }
__scs_overlays_trampoline_lowered:
0x8: {  	[smem:$0x3FAB] =	sst s0  }
0x9: {  	[smem:$0x3FAC] =	sst s1  }
0xa: {  	[smem:$0x3FAD] =	sst s2  }
0xb: {  	[smem:$0x3FAE] =	sst s3  }
0xc: {  	[smem:$0x3FAF] =	sst s4  }
0xd: {  	[smem:$0x3FB0] =	sst s5  }
0xe: {  	[smem:$0x3FB1] =	sst s6  }
0xf: {  	[smem:$0x3FB2] =	sst s7  }
0x10: {  	[smem:$0x3FB3] =	sst s8  }
0x11: {  	[smem:$0x3FB4] =	sst s9;
	s0 =	simm.s32 @!p0 $0x0  }
0x12: {  	s1 =	sld [smem:$0x3F9A];
	s0 =	simm.s32 @p0 $0x1  }
0x13: {  	[smem:$0x3FB5] =	sst s0;
	s0 =	simm.s32 @!p1 $0x0  }
0x14: {  	s2 =	sld [smem:$0x3F99];
	s0 =	simm.s32 @p1 $0x1  }
0x15: {  	[smem:$0x3FB6] =	sst s0;
	s0 =	simm.s32 @!p2 $0x0  }
0x16: {  	s3 =	sld [smem:$0x3FDB];
	s0 =	simm.s32 @p2 $0x1  }
0x17: {  	s4 =	simm.s32 $0x1BF5;
	[smem:$0x3FB8] =	sst s0  }
0x18: {  	s0 =	sld [smem:$0x3F9B];
	_ =	swait.ge [sflag:s4], $0x0  }
0x19: {  	s7 =	sld [smem:$0x3F9C]  }
0x1a: {  	s8 =	sadd.s32 $0xFFFFE003, lr  }
0x1b: {  	s9 =	sadd.s32 $0xFFFFFEF7, lr;
	s5 =	simm.s32 $0xFFFFFFFF;
	p2 =	slt.u32 s8, $0xFFFFF086  }
0x1c: {  	p1 =	slt.u32 s9, $0xF7A;
	s5 =	simm.s32 @!p2 $0x0  }
0x1d: {  	s5 =	simm.s32 @p1 $0x1;
	p0 =	seq.s32 s7, s2  }
0x1e: {  	s7 =	smul.u32 @!p0 $0xF7A, s2;
	p2 =	seq.s32 @!p0 s5, $0x0  }
0x1f: {  	s9 =	smul.u32 $0xF7A, s1;
	s8 =	simm.s32 @!p0 $0x1BF5;
	p2 =	por !p2, p0  }
0x20: {  	[sflag:s8] =	ssyncset.s32 @!p0 $0xFFFFF086;
	s6 =	sadd.s32 @!p0 s3, s7;
	s7 =	simm.s32 @!p0 $0x108  }
0x21: {  	s3 =	sadd.s32 s3, s9;
	s6 =	sadd.s32 @!p0 $0x88, s6;
	s7 =	simm.s32 @p2 $0x1082  }
0x22: {  	[simem:s7], [sflag:s8] =	dma.local @!p0 [hbm:s6], $0xF7A  }
0x23: {  	s9 =	sor.u32 $0xD0000000, s2;
	s6 =	simm.s32 $0x108;
	_ =	swait.ge @!p0 [sflag:s8], $0x0  }
0x24: {  	s3 =	sadd.s32 $0x88, s3;
	s6 =	simm.s32 @!p1 $0x1082;
	[sflag:s4] =	ssyncset.s32 $0xFFFFF086  }
0x25: {  	[simem:s6], [sflag:s4] =	dma.local [hbm:s3], $0xF7A  }
0x26: {  	[smem:$0x3F9C] =	sst s1;
	(tag) =	ssettag s2;
	_ =	strace s9  }
0x27: {  	s1 =	sld [smem:$0x3FAC]  }
0x28: {  	s2 =	sld [smem:$0x3FAD]  }
0x29: {  	s4 =	sld [smem:$0x3FAF]  }
0x2a: {  	p0 =	seq.s32 s5, $0x0;
	s5 =	sld [smem:$0x3FB0]  }
0x2b: {  	s6 =	sld [smem:$0x3FB1]  }
0x2c: {  	s7 =	sld [smem:$0x3FB2]  }
0x2d: {  	s3 =	simm.s32 $0x108;
	s8 =	sld [smem:$0x3FB3]  }
0x2e: {  	s3 =	simm.s32 @!p0 $0x1082;
	s9 =	sld [smem:$0x3FB4]  }
0x2f: {  	lr =	sadd.s32 s0, s3;
	s0 =	sld [smem:$0x3FAB]  }
0x30: {  	s3 =	sld [smem:$0x3FAE]  }
0x31: {  	[smem:$0x3FB7] =	sst s10  }
0x32: {  	s10 =	sld [smem:$0x3FB5];
	_ =	sdelay $0x3  }
0x33: {  	p0 =	seq.s32 s10, $0x1;
	s10 =	sld [smem:$0x3FB7];
	_ =	sdelay $0x3  }
0x34: {  	[smem:$0x3FB7] =	sst s10  }
0x35: {  	s10 =	sld [smem:$0x3FB6];
	_ =	sdelay $0x3  }
0x36: {  	p1 =	seq.s32 s10, $0x1;
	s10 =	sld [smem:$0x3FB7];
	_ =	sdelay $0x3  }
0x37: {  	[smem:$0x3FB7] =	sst s10  }
0x38: {  	s10 =	sld [smem:$0x3FB8]  }
0x39: {  	_ = 	snop;
	(pc) =	sbr.ind lr, $3  }
0x3a: {  	_ = 	snop  }
0x3b: {  	_ = 	snop  }
0x3c: {  	p2 =	seq.s32 s10, $0x1;
	s10 =	sld [smem:$0x3FB7]  }
0x3d: {  	_ =	shalt  }
0x3e: {  	_ =	shalt  }
0x3f: {  	_ =	shalt  }
0x40: {  	_ =	shalt  }
0x41: {  	_ =	shalt  }
0x42: {  	_ =	shalt  }
0x43: {  	_ =	shalt  }
0x44: {  	_ =	shalt  }
0x45: {  	_ =	shalt  }
0x46: {  	_ =	shalt  }
0x47: {  	_ =	shalt  }
0x48: {  	_ =	shalt  }
0x49: {  	_ =	shalt  }
0x4a: {  	_ =	shalt  }
0x4b: {  	_ =	shalt  }
0x4c: {  	_ =	shalt  }
0x4d: {  	_ =	shalt  }
0x4e: {  	_ =	shalt  }
0x4f: {  	_ =	shalt  }
0x50: {  	_ =	shalt  }
0x51: {  	_ =	shalt  }
0x52: {  	_ =	shalt  }
0x53: {  	_ =	shalt  }
0x54: {  	_ =	shalt  }
0x55: {  	_ =	shalt  }
0x56: {  	_ =	shalt  }
0x57: {  	_ =	shalt  }
0x58: {  	_ =	shalt  }
0x59: {  	_ =	shalt  }
0x5a: {  	_ =	shalt  }
0x5b: {  	_ =	shalt  }
0x5c: {  	_ =	shalt  }
0x5d: {  	_ =	shalt  }
0x5e: {  	_ =	shalt  }
0x5f: {  	_ =	shalt  }
0x60: {  	_ =	shalt  }
0x61: {  	_ =	shalt  }
0x62: {  	_ =	shalt  }
0x63: {  	_ =	shalt  }
0x64: {  	_ =	shalt  }
0x65: {  	_ =	shalt  }
0x66: {  	_ =	shalt  }
0x67: {  	_ =	shalt  }
0x68: {  	_ =	shalt  }
0x69: {  	_ =	shalt  }
0x6a: {  	_ =	shalt  }
0x6b: {  	_ =	shalt  }
0x6c: {  	_ =	shalt  }
0x6d: {  	_ =	shalt  }
0x6e: {  	_ =	shalt  }
0x6f: {  	_ =	shalt  }
0x70: {  	_ =	shalt  }
0x71: {  	_ =	shalt  }
0x72: {  	_ =	shalt  }
0x73: {  	_ =	shalt  }
0x74: {  	_ =	shalt  }
0x75: {  	_ =	shalt  }
0x76: {  	_ =	shalt  }
0x77: {  	_ =	shalt  }
0x78: {  	_ =	shalt  }
0x79: {  	_ =	shalt  }
0x7a: {  	_ =	shalt  }
0x7b: {  	_ =	shalt  }
0x7c: {  	_ =	shalt  }
0x7d: {  	_ =	shalt  }
0x7e: {  	_ =	shalt  }
0x7f: {  	_ =	shalt  }
0x80: {  	_ =	shalt  }
0x81: {  	_ =	shalt  }
0x82: {  	_ =	shalt  }
0x83: {  	_ =	shalt  }
0x84: {  	_ =	shalt  }
0x85: {  	_ =	shalt  }
0x86: {  	_ =	shalt  }
0x87: {  	_ =	shalt  }
.Lfunc_end0:
.L_simem_size_0:
called_computation_lowered:
.L_overlay_start_0:
0x88: {  	s2 =	sld [smem:$0x3FD9]  }
0x89: {  	s3 =	sld [smem:$0x3FFE];
	_ =	sdelay $0x1  }
0x8a: {  	s1 =	srdreg.scid  }
0x8b: {  	s0 =	sand.u32 $0x1, s1  }
0x8c: {  	s17 =	sshll.u32 s0, $0xA;
	s2 =	sadd.s32 s3, s2  }
0x8d: {  	s2 =	sadd.s32 s2, s17  }
0x8e: {  	[smem:$0x3FC3] =	sst s2  }
0x8f: {  	_ = 	snop  }
0x90: {  	s2 =	sld [smem:$0x3FC8]  }
0x91: {  	s18 =	sld [smem:$0x3FC7]  }
0x92: {  	s4 =	sld [smem:$0x3FC6]  }
0x93: {  	s5 =	sld [smem:$0x3FC5]  }
0x94: {  	s6 =	sld [smem:$0x3FD0];
	(tm) =	ssettm $0x1  }
0x95: {  	s7 =	sld [smem:$0x3FFB];
	_ =	sdelay $0x3  }
0x96: {  	_ =	strace s7  }
0x97: {  	s7 =	sld [smem:$0x3FFC];
	_ =	sdelay $0x3  }
0x98: {  	_ =	strace s7  }
0x99: {  	s7 =	sld [smem:$0x3FFD];
	_ =	sdelay $0x3  }
0x9a: {  	_ =	strace s7  }
0x9b: {  	_ =	strace $0x8FFFFFFF  }
0x9c: {  	s19 =	sld [smem:$0x3FDB];
	_ =	sdelay $0x1  }
0x9d: {  	s8 =	simm.s32 $_scs_section_size  }
0x9e: {  	s9 =	simm.s32 $_size__tile_overlayer_lowered;
	s10 =	simm.s32 $_tile_overlayer_lowered  }
0x9f: {  	s22 =	simm.s32 $0x1BFF;
	s21 =	sshll.u32 s10, $0x1;
	s7 =	sadd.s32 s8, s19  }
0xa0: {  	s11 =	simm.s32 $0x0;
	s20 =	sshll.u32 s9, $0x1;
	s9 =	sadd.s32 s21, s7  }
0xa1: {  	[timem:s11], [sflag:s22] =	dma.local [hbm:s9], s20  }
0xa2: {  	_ =	swait.ge [sflag:s22], s20  }
0xa3: {  	s8 =	ssub.s32 $0x0, s20;
	[sflag:s22] =	ssyncset.done $0x0  }
0xa4: {  	[sflag:s22] =	ssyncadd.s32 s8;
	_ =	sdelay $0x1  }
0xa5: {  	s23 =	simm.s32 $0x1B8B  }
0xa6: {  	_ =	swait.ge [sflag:s23], $0x1  }
0xa7: {  	[sflag:s23] =	ssyncset.done $0x0  }
0xa8: {  	s25 =	simm.s32 $0x1B8E;
	s24 =	sld [smem:$0x3FFE];
	[sflag:s23] =	ssyncadd.s32 $0xFFFFFFFF  }
0xa9: {  	s26 =	simm.s32 $execute0_lowered;
	[smem:$0x3FD2] =	sst s25  }
0xaa: {  	s9 =	sshll.u32 s26, $0x1;
	_ =	strace $0x80000046;
	[dreg:$0x1] =	wrdreg $0xFFFFFFFF  }
0xab: {  	s28 =	simm.s32 $_size_execute0_lowered;
	s7 =	sadd.s32 s7, s9;
	[dreg:$0x0] =	wrdreg $0x0  }
0xac: {  	s9 =	sshll.u32 s28, $0x1;
	[dreg:$0x2] =	wrdreg s7  }
0xad: {  	[dreg:$0x3] =	wrdreg s9  }
0xae: {  	[dreg:$0x4] =	wrdreg $0xC0  }
0xaf: {  	_ =	task [dreg:s11], $0x5FFFF  }
0xb0: {  	[dreg:$0x1] =	wrdreg $0xFFFFFFFF  }
0xb1: {  	[dreg:$0x0] =	wrdreg $0x60  }
0xb2: {  	[dreg:$0x2] =	wrdreg s24  }
0xb3: {  	[dreg:$0x3] =	wrdreg s2  }
0xb4: {  	[dreg:$0x4] =	wrdreg s18  }
0xb5: {  	[dreg:$0x5] =	wrdreg s4  }
0xb6: {  	[dreg:$0x6] =	wrdreg s5  }
0xb7: {  	[dreg:$0x7] =	wrdreg s6  }
0xb8: {  	[dreg:$0x8] =	wrdreg $0x9  }
0xb9: {  	_ =	task.clear_ibuf [dreg:s11], $0x9FFFF;
	_ =	strace $0x90000046  }
0xba: {  	s29 =	simm.s32 $0x9;
	_ =	strace $0x80000048  }
0xbb: {  	_ =	swait.ge [sflag:s29], $0x1  }
0xbc: {  	[sflag:s29] =	ssyncadd.s32 $0xFFFFFFFF  }
0xbd: {  	_ =	strace $0x90000048  }
0xbe: {  	_ =	sfence  }
0xbf: {  	s30 =	sld [smem:$0x0];
	_ =	sdelay $0x2  }
0xc0: {  	s31 =	sshll.u32 s1, $0xD;
	s1 =	sshrl.u32 s1, $0x2  }
0xc1: {  	s3 =	sand.u32 $0x4000, s31;
	s1 =	sadd.s32 s1, s30  }
0xc2: {  	s0 =	sor.u32 s3, s0;
	s1 =	sshll.u32 s1, $0x11  }
0xc3: {  	s0 =	sor.u32 s1, s0  }
0xc4: {  	s0 =	sadd.s32 $0x8F2B, s0  }
0xc5: {  	[sflag:s0] =	ssyncadd.remote.s32 $0x1  }
0xc6: {  	_ =	sfence.sel $0xFFFF  }
0xc7: {  	[dreg:$0x0] =	wrdreg $0xFFFFFFFF;
	(pc) =	sbr.abs _section_cstart, $3  }
0xc8: {  	[dreg:$0x1] =	wrdreg $0xFFFFFFFF  }
0xc9: {  	_ =	task.clear_ibuf [dreg:s11], $0x2FFFF;
	_ =	strace $0x9FFFFFFF  }
0xca: {  	(tm) =	ssettm $0x7FFFFFFF  }
0xcb: {  	_ =	shalt  }
tec
execute0_lowered:
.L_overlay_start_1:
0x0: {  	(tag) =	ssettag $0x1  }
0x1: {  	s1 =	rddreg [dreg:$0x0]  }
0x2: {  	s0 =	rddreg [dreg:$0x1]  }
0x3: {  	s5 =	rddreg [dreg:$0x4];
	s2 =	srdreg.scid  }
0x4: {  	s3 =	stileid.u32;
	s6 =	rddreg [dreg:$0x5]  }
0x5: {  	s7 =	simm.s32 $0x0;
	s14 =	simm.s32 $0x1900;
	s15 =	simm.s32 $0x7D00  }
0x6: {  	s16 =	simm.s32 $0x7D80;
	s17 =	simm.s32 $0x100;
	s18 =	simm.s32 $0x7E00  }
0x7: {  	s19 =	simm.s32 $0x1;
	s21 =	simm.s32 $0x0;
	s11 =	smul.u32 $0x640000, s3  }
0x8: {  	s2 =	sand.u32 $0x1, s2;
	s4 =	sshll.u32 s3, $0x1;
	s12 =	smul.u32 $0x3200, s3  }
0x9: {  	[smem:$0x7FF] =	sst s7;
	s4 =	sor.u32 s2, s4;
	s13 =	smul.u32 $0x1900, s2  }
0xa: {  	_ =	strace $0x80000047;
	s30 =	ssub.s32 $0x2, s2;
	s8 =	smul.u32 $0x1900, s4  }
0xb: {  	s2 =	smul.u32 $0x320000, s2;
	s10 =	sshrl.u32 s30, $0x1;
	s31 =	sshrl.u32 s11, $0x2  }
0xc: {  	s4 =	ssub.s32 s30, s10;
	s11 =	sor.u32 $0x1900, s31;
	s9 =	sshrl.u32 s8, $0x3  }
0xd: {  	s20 =	sshrl.u32 s2, $0x2;
	s10 =	smax.u32 s4, $0x1;
	s1 =	sadd.s32 s9, s1  }
0xe: {  	v0 =	vimm.f32 $1.000000000e+00;
	s4 =	sadd.s32 s13, s12;
	s13 =	simm.s32 $0x2;
	s9 =	sadd.s32 $0x400, s1  }
.LBB2_1:
0xf: {  	[tilespmem:s7], [sflag:$0x2] =	stream.linear.gather [hbm4b:s9+s7], $0x1900, $0x38;
	[tilespmem:$0xFE00] =	vst v63  }
0x10: {  	_ =	swait.ge [sflag:s13], $0x1900  }
0x11: {  	[sflag:s13] =	ssyncset.done $0x0  }
0x12: {  	[sflag:s13] =	ssyncadd.s32 $0xFFFFE700  }
0x13: {  	s1 =	rddreg [dreg:$0x2]  }
0x14: {  	[tilespmem:s14], [sflag:$0x2] =	stream.linear.gather [hbm4b:s1+s7], $0x6400, $0x38;
	[tilespmem:$0xFE00] =	vst v63  }
0x15: {  	_ =	swait.ge [sflag:s13], $0x6400  }
0x16: {  	[sflag:s13] =	ssyncset.done $0x0  }
0x17: {  	[sflag:s13] =	ssyncadd.s32 $0xFFFF9C00  }
0x18: {  	s31 =	rddreg [dreg:$0x3]  }
0x19: {  	[tilespmem:s15], [sflag:$0x2] =	stream.linear.gather [hbm4b:s31+s7], $0x80, $0x38;
	[tilespmem:$0xFE00] =	vst v63  }
0x1a: {  	_ =	swait.ge [sflag:s13], $0x80  }
0x1b: {  	[sflag:s13] =	ssyncset.done $0x0  }
0x1c: {  	[sflag:s13] =	ssyncadd.s32 $0xFFFFFF80  }
0x1d: {  	[tilespmem:s16], [sflag:$0x2] =	stream.linear.gather [hbm4b:s5+s7], $0x80, $0x38;
	[tilespmem:$0xFE00] =	vst v63  }
0x1e: {  	_ =	swait.ge [sflag:s13], $0x80  }
0x1f: {  	[sflag:s13] =	ssyncset.done $0x0  }
0x20: {  	[sflag:s13] =	ssyncadd.s32 $0xFFFFFF80  }
0x21: {  	v1 =	vld [tilespmem:$0x7D00]  }
0x22: {  	v2 =	vld [tilespmem:$0x7D10]  }
0x23: {  	v3 =	vld [tilespmem:$0x7D20]  }
0x24: {  	v4 =	vld [tilespmem:$0x7D30]  }
0x25: {  	v5 =	vld [tilespmem:$0x7D40]  }
0x26: {  	v6 =	vld [tilespmem:$0x7D50]  }
0x27: {  	v7 =	vld [tilespmem:$0x7D60]  }
0x28: {  	v8 =	vld [tilespmem:$0x7D70]  }
0x29: {  	v9 =	vld [tilespmem:$0x7D80]  }
0x2a: {  	v10 =	vld [tilespmem:$0x7D90]  }
0x2b: {  	v11 =	vld [tilespmem:$0x7DA0]  }
0x2c: {  	v12 =	vld [tilespmem:$0x7DB0]  }
0x2d: {  	v13 =	vld [tilespmem:$0x7DC0]  }
0x2e: {  	v14 =	vld [tilespmem:$0x7DD0]  }
0x2f: {  	s12 =	smov.u32 s4;
	v15 =	vld [tilespmem:$0x7DE0]  }
0x30: {  	s23 =	simm.s32 $0x0;
	s24 =	simm.s32 $0x0;
	s25 =	simm.s32 $0x0;
	v16 =	vld [tilespmem:$0x7DF0]  }
.LBB2_2:
0x31: {  	s26 =	sshll.u32 s25, $0x8;
	s1 =	smulhi.u32 $0x51EB851F, s12  }
0x32: {  	[tilespmem:s18], [sflag:$0x1] =	stream.indirect.gather [hbm4b:s0+s17], $0x80, s26, s17, $0xb8;
	[tilespmem:$0xFE00] =	vst v63  }
0x33: {  	v17 =	vmov s24;
	s1 =	sshrl.u32 s1, $0x6;
	_ =	swait.ge [sflag:s19], $0x8000  }
0x34: {  	s1 =	smul.u32 $0xFFFE7000, s1;
	[sflag:s19] =	ssyncset.done $0x0  }
0x35: {  	s28 =	simm.s32 $0x0;
	[sflag:s19] =	ssyncadd.s32 $0xFFFF8000  }
0x36: {  	s1 =	sshra.s32 s1, $0x2;
	v18 =	vld [tilespmem:s28+$0x7E00]  }
0x37: {  	v19 =	vld [tilespmem:s28+$0x7E10];
	s1 =	sadd.s32 s1, s11  }
0x38: {  	s29 =	sshra.s32 s23, $0x2;
	v17 =	vld.idx.msk [tilespmem:v17+s7+$0x0], $0xffff;
	s1 =	sadd.s32 s20, s1  }
0x39: {  	v20 =	vld [tilespmem:s28+$0x7E20];
	s1 =	sadd.s32 s29, s1  }
0x3a: {  	v23 =	vld [tilespmem:s28+$0x7E30];
	s1 =	sadd.s32 $0x0, s1  }
0x3b: {  	v21 =	vld [tilespmem:s1+$0x10]  }
0x3c: {  	v22 =	vld [tilespmem:s1+$0x0]  }
0x3d: {  	v24 =	vld [tilespmem:s1+$0x20];
	vm0 =	veq.s32 v17, $0x0  }
0x3e: {  	v25 =	vld [tilespmem:s28+$0x7E40];
	v26 =	vsel vm0, $0x0, v0  }
0x3f: {  	v27 =	vld [tilespmem:s1+$0x30];
	v17 =	vmul.f32 v26, v18;
	v19 =	vmul.f32 v19, v26  }
0x40: {  	v28 =	vld [tilespmem:s28+$0x7E50];
	v20 =	vmul.f32 v20, v26  }
0x41: {  	v29 =	vld [tilespmem:s1+$0x40];
	v18 =	vadd.f32 v17, v22;
	v17 =	vadd.f32 v21, v19  }
0x42: {  	v31 =	vld [tilespmem:s1+$0x50];
	v22 =	vmul.f32 v23, v26;
	v19 =	vadd.f32 v24, v20  }
0x43: {  	v21 =	vld [tilespmem:s28+$0x7E60];
	v23 =	vmul.f32 v18, v18;
	v24 =	vadd.f32 v17, v18;
	v30 =	vmul.f32 v17, v17  }
0x44: {  	v32 =	vld [tilespmem:s28+$0x7E70];
	v25 =	vmul.f32 v25, v26;
	v20 =	vadd.f32 v27, v22  }
0x45: {  	v63 =	vld [tilespmem:s1+$0x60];
	v27 =	vmul.f32 v19, v19;
	v22 =	vadd.f32 v30, v23;
	v24 =	vadd.f32 v19, v24  }
0x46: {  	v28 =	vmul.f32 v28, v26;
	v23 =	vadd.f32 v29, v25  }
0x47: {  	v29 =	vld [tilespmem:s1+$0x70];
	v25 =	vadd.f32 v27, v22;
	v24 =	vadd.f32 v20, v24;
	v27 =	vmul.f32 v20, v20  }
0x48: {  	v21 =	vmul.f32 v21, v26;
	v22 =	vadd.f32 v31, v28  }
0x49: {  	v25 =	vadd.f32 v27, v25;
	v24 =	vadd.f32 v23, v24;
	v27 =	vmul.f32 v23, v23  }
0x4a: {  	v26 =	vmul.f32 v32, v26;
	v21 =	vadd.f32 v63, v21  }
0x4b: {  	v28 =	vmul.f32 v22, v22;
	v25 =	vadd.f32 v27, v25;
	v27 =	vadd.f32 v22, v24  }
0x4c: {  	v24 =	vadd.f32 v29, v26  }
0x4d: {  	v25 =	vadd.f32 v28, v25;
	v26 =	vadd.f32 v21, v27;
	v27 =	vmul.f32 v21, v21;
	_ =	sdelay $0x1  }
0x4e: {  	v25 =	vadd.f32 v27, v25;
	v26 =	vadd.f32 v24, v26;
	v27 =	vmul.f32 v24, v24;
	_ =	sdelay $0x1  }
0x4f: {  	v25 =	vadd.f32 v27, v25;
	(xrf2) =	vadd.scan.msk.f32 $0xffff, v26;
	_ =	sdelay $0x1  }
0x50: {  	(xrf2) =	vadd.scan.msk.f32 $0xffff, v25;
	_ =	sdelay $0x7  }
0x51: {  	v25, _, _ =	vpop (xrf2)  }
0x52: {  	(v2sf) =	vpush v25, $0xF  }
0x53: {  	v25, _, _ =	vpop (xrf2)  }
0x54: {  	(v2sf) =	vpush v25, $0xF;
	_ =	sdelay $0xc  }
0x55: {  	s3 =	spop (v2sf)  }
0x56: {  	s1 =	smul.f32 $7.812500000e-03, s3  }
0x57: {  	s2 =	spop (v2sf)  }
0x58: {  	v25 =	vmov s1;
	s22 =	smul.f32 $7.812500000e-03, s2  }
0x59: {  	v25 =	vadd.f32 $0.0e+00, v25  }
0x5a: {  	v27 =	vmov s22  }
0x5b: {  	s30 =	simm.s32 $0x200;
	s31 =	smov.u32 s24;
	s22 =	smov.u32 s12;
	v26 =	vmul.f32 v25, v25;
	v27 =	vadd.f32 $0.0e+00, v27  }
.LBB2_3:
0x5c: {  	_ = 	snop  }
0x5d: {  	p0 =	sne.s32 s30, $0x1FE00;
	s31 =	sadd.s32 $0x1, s31;
	s22 =	sadd.s32 $0x1, s22;
	v26 =	vsub.f32 v27, v26  }
0x5e: {  	s1 =	smov.u32 s30;
	s30 =	sadd.s32 $0x200, s30  }
0x5f: {  	v26 =	vmax.f32 v26, $0.0e+00  }
0x60: {  	v26 =	vadd.f32 $9.999999960e-13, v26;
	_ =	sdelay $0x1  }
0x61: {  	s2 =	smulhi.u32 $0x51EB851F, s22;
	v27 =	vmov s31;
	v26 =	vbroadcast v26, $0x0;
	_ =	sdelay $0x1  }
0x62: {  	s2 =	sshrl.u32 s2, $0x6;
	v28 =	vshra.s32 v26, $0x1;
	v26 =	vmul.f32 $5.000000000e-01, v26  }
0x63: {  	s3 =	smul.u32 $0xFFFE7000, s2;
	s2 =	sshra.s32 s1, $0x2;
	v28 =	vsub.s32 $0x5F3759DF, v28  }
0x64: {  	v29 =	vmul.f32 v28, v26  }
0x65: {  	s1 =	sshra.s32 s3, $0x2  }
0x66: {  	s1 =	sadd.s32 s1, s11;
	v29 =	vmul.f32 v28, v29  }
0x67: {  	s1 =	sadd.s32 s20, s1  }
0x68: {  	s1 =	sadd.s32 s29, s1;
	v29 =	vsub.f32 $1.500000000e+00, v29  }
0x69: {  	s1 =	sadd.s32 s2, s1  }
0x6a: {  	v28 =	vmul.f32 v28, v29;
	_ =	sdelay $0x1  }
0x6b: {  	v29 =	vmul.f32 v28, v26;
	_ =	sdelay $0x1  }
0x6c: {  	v29 =	vmul.f32 v29, v28;
	_ =	sdelay $0x1  }
0x6d: {  	v29 =	vsub.f32 $1.500000000e+00, v29;
	_ =	sdelay $0x1  }
0x6e: {  	v28 =	vmul.f32 v29, v28;
	_ =	sdelay $0x1  }
0x6f: {  	v26 =	vmul.f32 v28, v26;
	_ =	sdelay $0x1  }
0x70: {  	v26 =	vmul.f32 v26, v28;
	_ =	sdelay $0x1  }
0x71: {  	v26 =	vsub.f32 $1.500000000e+00, v26;
	_ =	sdelay $0x1  }
0x72: {  	v25 =	vbroadcast v25, $0x0;
	v26 =	vmul.f32 v26, v28;
	_ =	sdelay $0x1  }
0x73: {  	v25 =	vmul.f32 v26, v25;
	v23 =	vmul.f32 v26, v23  }
0x74: {  	v18 =	vmul.f32 v26, v18;
	v19 =	vmul.f32 v26, v19  }
0x75: {  	v17 =	vmul.f32 v26, v17;
	v20 =	vmul.f32 v26, v20;
	v23 =	vsub.f32 v23, v25  }
0x76: {  	v22 =	vmul.f32 v26, v22;
	v18 =	vsub.f32 v18, v25;
	v19 =	vsub.f32 v19, v25  }
0x77: {  	v17 =	vsub.f32 v17, v25;
	v20 =	vsub.f32 v20, v25;
	v23 =	vmul.f32 v23, v5  }
0x78: {  	v24 =	vmul.f32 v26, v24;
	v22 =	vsub.f32 v22, v25;
	v18 =	vmul.f32 v18, v1  }
0x79: {  	v21 =	vmul.f32 v26, v21;
	v17 =	vmul.f32 v17, v2;
	v23 =	vadd.f32 v23, v13  }
0x7a: {  	v24 =	vsub.f32 v24, v25;
	v19 =	vmul.f32 v19, v3;
	v18 =	vadd.f32 v18, v9  }
0x7b: {  	v21 =	vsub.f32 v21, v25;
	v20 =	vmul.f32 v20, v4;
	v17 =	vadd.f32 v17, v10;
	[tilespmem:s28+$0x7E40] =	vst v23  }
0x7c: {  	[tilespmem:s28+$0x7E00] =	vst v18;
	v18 =	vadd.f32 v19, v11;
	v19 =	vmul.f32 v22, v6;
	v22 =	vmul.f32 v24, v8  }
0x7d: {  	[tilespmem:s28+$0x7E10] =	vst v17;
	v17 =	vadd.f32 v20, v12;
	v20 =	vmul.f32 v21, v7  }
0x7e: {  	v21 =	vld [tilespmem:s2+$0x7E00];
	[tilespmem:s28+$0x7E20] =	vst v18;
	v18 =	vadd.f32 v19, v14;
	v19 =	vadd.f32 v22, v16  }
0x7f: {  	v22 =	vld [tilespmem:s2+$0x7E40];
	[tilespmem:s28+$0x7E30] =	vst v17;
	v17 =	vadd.f32 v20, v15  }
0x80: {  	v20 =	vld [tilespmem:s2+$0x7E10];
	[tilespmem:s28+$0x7E70] =	vst v19  }
0x81: {  	v19 =	vld [tilespmem:s2+$0x7E20];
	[tilespmem:s28+$0x7E60] =	vst v17  }
0x82: {  	v23 =	vld [tilespmem:s2+$0x7E60];
	[tilespmem:s28+$0x7E50] =	vst v18;
	s28 =	smov.u32 s2  }
0x83: {  	v17 =	vld [tilespmem:s1+$0x10]  }
0x84: {  	v18 =	vld.idx.msk [tilespmem:v27+s7+$0x0], $0xffff  }
0x85: {  	v24 =	vld [tilespmem:s1+$0x0]  }
0x86: {  	v25 =	vld [tilespmem:s28+$0x7E50]  }
0x87: {  	v26 =	vld [tilespmem:s28+$0x7E30]  }
0x88: {  	v27 =	vld [tilespmem:s1+$0x20]  }
0x89: {  	v28 =	vld [tilespmem:s1+$0x30]  }
0x8a: {  	vm0 =	veq.s32 v18, $0x0  }
0x8b: {  	v29 =	vsel vm0, $0x0, v0  }
0x8c: {  	v18 =	vmul.f32 v29, v21;
	v20 =	vmul.f32 v20, v29;
	v21 =	vld [tilespmem:s28+$0x7E70]  }
0x8d: {  	v19 =	vmul.f32 v19, v29;
	v26 =	vmul.f32 v26, v29;
	v30 =	vld [tilespmem:s1+$0x40]  }
0x8e: {  	v22 =	vmul.f32 v22, v29;
	v18 =	vadd.f32 v18, v24;
	v17 =	vadd.f32 v17, v20  }
0x8f: {  	v19 =	vadd.f32 v27, v19;
	v24 =	vmul.f32 v25, v29;
	v20 =	vadd.f32 v28, v26  }
0x90: {  	v25 =	vmul.f32 v18, v18;
	v26 =	vadd.f32 v17, v18;
	v27 =	vmul.f32 v17, v17;
	v28 =	vld [tilespmem:s1+$0x50]  }
0x91: {  	v31 =	vmul.f32 v23, v29;
	v29 =	vmul.f32 v21, v29  }
0x92: {  	v21 =	vadd.f32 v27, v25;
	v25 =	vadd.f32 v19, v26;
	v26 =	vmul.f32 v19, v19;
	v27 =	vld [tilespmem:s1+$0x60]  }
0x93: {  	v23 =	vadd.f32 v30, v22  }
0x94: {  	v21 =	vadd.f32 v26, v21;
	v25 =	vadd.f32 v20, v25;
	v26 =	vmul.f32 v20, v20;
	v30 =	vld [tilespmem:s1+$0x70]  }
0x95: {  	v22 =	vadd.f32 v28, v24  }
0x96: {  	v24 =	vadd.f32 v26, v21;
	v25 =	vadd.f32 v23, v25;
	v26 =	vmul.f32 v23, v23  }
0x97: {  	v21 =	vadd.f32 v27, v31  }
0x98: {  	v26 =	vadd.f32 v26, v24;
	v25 =	vadd.f32 v22, v25;
	v27 =	vmul.f32 v22, v22  }
0x99: {  	v24 =	vadd.f32 v30, v29  }
0x9a: {  	v26 =	vadd.f32 v27, v26;
	v25 =	vadd.f32 v21, v25;
	v27 =	vmul.f32 v21, v21;
	_ =	sdelay $0x1  }
0x9b: {  	v26 =	vadd.f32 v27, v26;
	v25 =	vadd.f32 v24, v25;
	v27 =	vmul.f32 v24, v24;
	_ =	sdelay $0x1  }
0x9c: {  	v26 =	vadd.f32 v27, v26;
	(xrf2) =	vadd.scan.msk.f32 $0xffff, v25;
	_ =	sdelay $0x2  }
0x9d: {  	(xrf2) =	vadd.scan.msk.f32 $0xffff, v26;
	_ =	sdelay $0x6  }
0x9e: {  	v25, _, _ =	vpop (xrf2)  }
0x9f: {  	(v2sf) =	vpush v25, $0xF;
	_ =	sdelay $0x1  }
0xa0: {  	v25, _, _ =	vpop (xrf2)  }
0xa1: {  	(v2sf) =	vpush v25, $0xF;
	_ =	sdelay $0xb  }
0xa2: {  	s1 =	spop (v2sf)  }
0xa3: {  	s1 =	smul.f32 $7.812500000e-03, s1;
	_ =	sdelay $0x1  }
.Ltmp0:
0xa4: {  	v25 =	vmov s1;
	s1 =	spop (v2sf);
	(pc) =	sbr.rel @p0 .LBB2_3-.Ltmp0, $3  }
0xa5: {  	v25 =	vadd.f32 $0.0e+00, v25;
	s1 =	smul.f32 $7.812500000e-03, s1;
	_ =	sdelay $0x1  }
0xa6: {  	v27 =	vmov s1;
	v26 =	vmul.f32 v25, v25  }
0xa7: {  	v27 =	vadd.f32 $0.0e+00, v27  }
0xa8: {  	_ = 	snop  }
0xa9: {  	v26 =	vsub.f32 v27, v26;
	_ =	sdelay $0x1  }
0xaa: {  	v26 =	vmax.f32 v26, $0.0e+00  }
0xab: {  	v26 =	vadd.f32 $9.999999960e-13, v26;
	_ =	sdelay $0x1  }
0xac: {  	v26 =	vbroadcast v26, $0x0;
	_ =	sdelay $0x1  }
0xad: {  	v61 =	vshra.s32 v26, $0x1;
	v26 =	vmul.f32 $5.000000000e-01, v26  }
0xae: {  	v27 =	vsub.s32 $0x5F3759DF, v61  }
0xaf: {  	v28 =	vmul.f32 v27, v26;
	_ =	sdelay $0x1  }
0xb0: {  	v28 =	vmul.f32 v27, v28;
	_ =	sdelay $0x1  }
0xb1: {  	v28 =	vsub.f32 $1.500000000e+00, v28;
	_ =	sdelay $0x1  }
0xb2: {  	v27 =	vmul.f32 v27, v28;
	_ =	sdelay $0x1  }
0xb3: {  	v28 =	vmul.f32 v27, v26;
	_ =	sdelay $0x1  }
0xb4: {  	v28 =	vmul.f32 v28, v27;
	_ =	sdelay $0x1  }
0xb5: {  	v28 =	vsub.f32 $1.500000000e+00, v28;
	_ =	sdelay $0x1  }
0xb6: {  	v27 =	vmul.f32 v28, v27;
	_ =	sdelay $0x1  }
0xb7: {  	v26 =	vmul.f32 v27, v26;
	_ =	sdelay $0x1  }
0xb8: {  	v26 =	vmul.f32 v26, v27;
	_ =	sdelay $0x1  }
0xb9: {  	v26 =	vsub.f32 $1.500000000e+00, v26;
	_ =	sdelay $0x1  }
0xba: {  	v25 =	vbroadcast v25, $0x0;
	v26 =	vmul.f32 v26, v27;
	_ =	sdelay $0x1  }
0xbb: {  	v25 =	vmul.f32 v26, v25;
	v23 =	vmul.f32 v26, v23  }
0xbc: {  	v18 =	vmul.f32 v26, v18  }
0xbd: {  	v19 =	vmul.f32 v26, v19;
	v17 =	vmul.f32 v26, v17;
	v23 =	vsub.f32 v23, v25  }
0xbe: {  	v20 =	vmul.f32 v26, v20;
	v22 =	vmul.f32 v26, v22;
	v18 =	vsub.f32 v18, v25  }
0xbf: {  	v24 =	vmul.f32 v26, v24;
	v17 =	vsub.f32 v17, v25;
	v23 =	vmul.f32 v23, v5  }
0xc0: {  	v21 =	vmul.f32 v26, v21;
	v19 =	vsub.f32 v19, v25;
	v18 =	vmul.f32 v18, v1  }
0xc1: {  	v20 =	vsub.f32 v20, v25;
	v17 =	vmul.f32 v17, v2;
	v23 =	vadd.f32 v23, v13  }
0xc2: {  	v24 =	vsub.f32 v24, v25;
	v19 =	vmul.f32 v19, v3;
	v18 =	vadd.f32 v18, v9  }
0xc3: {  	v21 =	vsub.f32 v21, v25;
	v20 =	vmul.f32 v20, v4;
	v17 =	vadd.f32 v17, v10;
	[tilespmem:s28+$0x7E40] =	vst v23  }
0xc4: {  	v22 =	vsub.f32 v22, v25;
	[tilespmem:s28+$0x7E00] =	vst v18;
	v18 =	vadd.f32 v19, v11;
	v19 =	vmul.f32 v24, v8  }
0xc5: {  	v62 =	vmul.f32 v21, v7;
	[tilespmem:s28+$0x7E10] =	vst v17;
	v17 =	vadd.f32 v20, v12  }
0xc6: {  	v63 =	vmul.f32 v22, v6;
	[tilespmem:s28+$0x7E20] =	vst v18;
	v18 =	vadd.f32 v19, v16  }
0xc7: {  	[tilespmem:s28+$0x7E30] =	vst v17;
	v17 =	vadd.f32 v62, v15  }
0xc8: {  	s1 =	sadd.s32 s8, s26;
	s25 =	sadd.s32 $0x1, s25;
	v19 =	vadd.f32 v63, v14;
	[tilespmem:s28+$0x7E70] =	vst v18  }
0xc9: {  	s1 =	sshll.u32 s1, $0x4;
	p0 =	sne.s32 s25, $0x19;
	[tilespmem:s28+$0x7E60] =	vst v17  }
.Ltmp1:
0xca: {  	s1 =	sadd.s32 s6, s1;
	[tilespmem:s28+$0x7E50] =	vst v19;
	(pc) =	sbr.rel @p0 .LBB2_2-.Ltmp1, $4  }
0xcb: {  	[hbm4b:s1+s7] =	stream.linear.scatter [tilespmem:s18], [sflag:$0x2], $0x8000, $0x38;
	[tilespmem:$0xFE00] =	vst v63  }
0xcc: {  	_ =	swait.ge [sflag:s13], $0x8000  }
0xcd: {  	s24 =	sadd.s32 $0x100, s24;
	[sflag:s13] =	ssyncset.done $0x0  }
0xce: {  	s23 =	sadd.s32 $0x20000, s23;
	s12 =	sadd.s32 $0x100, s12;
	[sflag:s13] =	ssyncadd.s32 $0xFFFF8000  }
0xcf: {  	s21 =	sadd.s32 $0x1, s21  }
0xd0: {  	p0 =	sne.s32 s21, s10  }
.Ltmp2:
0xd1: {  	_ = 	snop;
	(pc) =	sbr.rel @p0 .LBB2_1-.Ltmp2, $1  }
0xd2: {  	_ =	sdelay $0x3  }
0xd3: {  	_ =	sfence.sel $0x180000  }
0xd4: {  	[bflag:$0x0] =	sbarrier.arrive $0xFFFF  }
0xd5: {  	_ =	strace $0x90000047  }
0xd6: {  	s0 =	stileid.u32;
	[bflag:$0x2] =	sbarrier.arrive $0xFFFF  }
0xd7: {  	p0 =	sne.s32 s0, $0x0;
	s0 =	rddreg [dreg:$0x6]  }
0xd8: {  	s0 =	sadd.s32 @!p0 $0x100000, s0  }
0xd9: {  	[sflag:s0] =	ssyncadd.tile.s32 @!p0 $0x1;
	_ =	shalt  }
.Lfunc_end2:
_tile_overlayer_lowered:
.L_overlay_start_2:
0xda: {  	(tag) =	ssettag $0x2  }
0xdb: {  	s0 =	rddreg [dreg:$0x0];
	s2 =	stileid.u32  }
0xdc: {  	s1 =	rddreg [dreg:$0x1];
	p0 =	sne.s32 s2, $0x0  }
0xdd: {  	s3 =	rddreg [dreg:$0x2];
	[bflag:$0x3] =	sbarrier.arrive $0xFFFF;
	s2 =	simm.s32 @!p0 $0x1C02  }
0xde: {  	[timem:s3], [sflag:s2] =	dma.local @!p0 [hbm:s0], s1  }
0xdf: {  	s0 =	simm.s32 @!p0 $0x2  }
0xe0: {  	_ =	swait.ge @!p0 [sflag:s0], s1  }
0xe1: {  	s1 =	ssub.s32 @!p0 $0x0, s1;
	[sflag:s0] =	ssyncset.done @!p0 $0x0  }
0xe2: {  	[sflag:s0] =	ssyncadd.s32 @!p0 s1  }
0xe3: {  	[bflag:$0x3] =	sbarrier.arrive $0xFFFF  }
0xe4: {  	_ =	shalt  }

</sc_bundles>
